<compile_context>
chip_gen: v7x
topology: tpu7x:2x2x1
jax: 0.10.2.dev20260603
libtpu: 0.0.44.dev20260713+nightly
codegen_flags: <defaults>
</compile_context>

<pallas_src>
import functools

import jax
import jax.numpy as jnp
from jax import lax
from jax.experimental import pallas as pl
from jax.experimental.pallas import tpu as pltpu
from jax.experimental.pallas import tpu_sc as plsc

_DIM = 64
_NE = 8192
_NTOK = 32768
_BT = 256
_NB = _NTOK // _BT

_NC, _NS = 2, 16
_NW = _NC * _NS
_BPW = _NTOK // _NW
_CHUNK = 128
_NCHUNK = _BPW // _CHUNK


def _dist_min_body(x_ref, e_ref, mind_ref):
    x = x_ref[...]
    e = e_ref[...]
    xe = lax.dot_general(x, e, (((1,), (0,)), ((), ())),
                         preferred_element_type=jnp.float32)
    x2 = jnp.sum(x * x, axis=1)
    e2 = jnp.sum(e * e, axis=0, keepdims=True)
    part = e2 - 2.0 * xe
    mind_ref[...] = (jnp.min(part, axis=1) + x2).reshape(_BT, 1)


def _dist_min(x, embed):
    return pl.pallas_call(
        _dist_min_body,
        grid=(_NB,),
        in_specs=[pl.BlockSpec((_BT, _DIM), lambda i: (i, 0)),
                  pl.BlockSpec((_DIM, _NE), lambda i: (0, 0))],
        out_specs=pl.BlockSpec((_BT, 1), lambda i: (i, 0)),
        out_shape=jax.ShapeDtypeStruct((_NTOK, 1), jnp.float32),
        compiler_params=pltpu.CompilerParams(
            dimension_semantics=("arbitrary",)),
    )(x, embed)


def _sc_gather(table, idx2):
    mesh = plsc.VectorSubcoreMesh(core_axis_name="c", subcore_axis_name="s")

    @functools.partial(
        pl.kernel, mesh=mesh,
        out_type=jax.ShapeDtypeStruct((_NTOK, _DIM), jnp.float32),
        scratch_types=[pltpu.VMEM((_NCHUNK, _CHUNK), jnp.int32),
                       pltpu.VMEM((_BPW, _DIM), jnp.float32),
                       pltpu.SemaphoreType.DMA],
        compiler_params=pltpu.CompilerParams(use_tc_tiling_on_sc=False),
    )
    def gather_k(table_hbm, idx_hbm, out_hbm, idx_v, rows_v, sem):
        wid = lax.axis_index("s") * _NC + lax.axis_index("c")
        pltpu.sync_copy(idx_hbm.at[pl.ds(wid * _NCHUNK, _NCHUNK)], idx_v)
        copies = [pltpu.async_copy(table_hbm.at[idx_v.at[c]],
                                   rows_v.at[pl.ds(c * _CHUNK, _CHUNK)], sem)
                  for c in range(_NCHUNK)]
        for cp in copies:
            cp.wait()
        pltpu.sync_copy(rows_v, out_hbm.at[pl.ds(wid * _BPW, _BPW)])

    return gather_k(table, idx2)


def kernel(input, embed):
    x = input.astype(jnp.float32).reshape(_NTOK, _DIM)
    dist = (jnp.sum(x ** 2, axis=1, keepdims=True)
            - 2.0 * (x @ embed)
            + jnp.sum(embed ** 2, axis=0, keepdims=True))
    ind = jnp.argmax(-dist, axis=1).astype(jnp.int32)
    mind = _dist_min(x, embed)
    rows = _sc_gather(embed.T, ind.reshape(_NW * _NCHUNK, _CHUNK))
    quantize = rows.reshape(input.shape)
    diff = jnp.sum(mind) / jnp.float32(input.size)
    embed_ind = ind.reshape(input.shape[:-1])
    return quantize, diff, embed_ind

# --- scband reference (transcript-rebuilt; emitter-appended) ---
"""Pipeline reference for scband-quantize-12670153523895 (READ-ONLY COPY).

The authoritative reference and input builder live on the scoring server;
editing this copy changes nothing except your own understanding.
"""

import jax, jax.numpy as jnp
import numpy as np

DIM = 64
N_EMBED = 8192


def setup_inputs(seed: int = 0) -> dict:
    key = jax.random.key(seed)
    k1, k2 = jax.random.split(key)
    x = jax.random.normal(k1, (32, 1024, DIM), dtype=jnp.float32)
    embed = jax.random.normal(k2, (DIM, N_EMBED), dtype=jnp.float32)
    return {"input": x, "embed": embed}


def reference(input, embed):
    # eval-mode forward of Quantize (EMA buffer updates are no-grad training-only side effects)
    dim = embed.shape[0]
    flatten = input.astype(jnp.float32).reshape(-1, dim)
    dist = (jnp.sum(flatten ** 2, axis=1, keepdims=True)
            - 2.0 * (flatten @ embed)
            + jnp.sum(embed ** 2, axis=0, keepdims=True))
    embed_ind = jnp.argmax(-dist, axis=1)
    embed_ind = embed_ind.reshape(input.shape[:-1])
    # embed_code: F.embedding(embed_ind, embed.T)
    quantize = jnp.take(embed.T, embed_ind, axis=0)
    diff = jnp.sum((jax.lax.stop_gradient(quantize) - input) ** 2) / float(np.prod(input.shape))
    quantize = input + jax.lax.stop_gradient(quantize - input)
    return (quantize, diff, embed_ind)

if __name__ == "__main__":
    import jax
    _d = setup_inputs()
    print(jax.jit(kernel)(*tuple(_d.values())))

</pallas_src>

<mosaic_0001>
#map = affine_map<(d0, d1) -> (0, 0)>
module attributes {stable_mosaic.version = 14 : i64} {
  func.func @gather_k(%arg0: i32, %arg1: i32, %arg2: memref<8192x64xf32, #tpu.memory_space<hbm>>, %arg3: memref<256x128xi32, #tpu.memory_space<hbm>>, %arg4: memref<32768x64xf32, #tpu.memory_space<hbm>>, %arg5: memref<8x128xi32, #tpu.memory_space<vmem>>, %arg6: memref<1024x64xf32, #tpu.memory_space<vmem>>, %arg7: memref<!tpu.dma_semaphore, #tpu.memory_space<semaphore_mem>>) attributes {dimension_semantics = [#tpu.dimension_semantics<core_parallel>, #tpu.dimension_semantics<subcore_parallel>], iteration_bounds = array<i64: 2, 16>, scalar_prefetch = 0 : i64, scratch_operands = 3 : i64, tpu.core_type = #tpu.core_type<sc_vector_subcore>, window_params = [{transform_indices = #map}, {transform_indices = #map}, {transform_indices = #map}]} {
    %mul3A = arith.constant 2 : i32
    %mul3A_0 = arith.muli %arg1, %mul3A : i32
    %add3A = arith.addi %mul3A_0, %arg0 : i32
    %mul3A_1 = arith.constant 8 : i32
    %mul3A_2 = arith.muli %add3A, %mul3A_1 : i32
    "tpu.region"() ({
      %run_scoped3A = tpu.sem_alloc : memref<!tpu.dma_semaphore, #tpu.memory_space<semaphore_mem>>
      %dma_start3A_163 = arith.constant 0 : i32
      %dma_start3A_164 = tpu.memref_slice %arg3[%mul3A_2, %dma_start3A_163] : memref<256x128xi32, #tpu.memory_space<hbm>> -> memref<8x128xi32, #tpu.memory_space<hbm>>
      %dma_start3A_165 = arith.constant 0 : i32
      %dma_start3A_166 = tpu.memref_slice %arg3[%mul3A_2, %dma_start3A_165] : memref<256x128xi32, #tpu.memory_space<hbm>> -> memref<8x128xi32, #tpu.memory_space<hbm>>
      tpu.enqueue_dma source(%dma_start3A_166 : memref<8x128xi32, #tpu.memory_space<hbm>>) target(%arg5 : memref<8x128xi32, #tpu.memory_space<vmem>>) target_semaphore(%run_scoped3A : memref<!tpu.dma_semaphore, #tpu.memory_space<semaphore_mem>>)
      %dma_wait3A_167 = arith.constant 0 : i32
      %dma_wait3A_168 = tpu.memref_slice %arg3[%mul3A_2, %dma_wait3A_167] : memref<256x128xi32, #tpu.memory_space<hbm>> -> memref<8x128xi32, #tpu.memory_space<hbm>>
      %dma_wait3A_169 = arith.constant 0 : i32
      %dma_wait3A_170 = tpu.memref_slice %arg3[%mul3A_2, %dma_wait3A_169] : memref<256x128xi32, #tpu.memory_space<hbm>> -> memref<8x128xi32, #tpu.memory_space<hbm>>
      tpu.wait_dma2 semaphore(%run_scoped3A : memref<!tpu.dma_semaphore, #tpu.memory_space<semaphore_mem>>) src(%dma_wait3A_170 : memref<8x128xi32, #tpu.memory_space<hbm>>) dst(%arg5 : memref<8x128xi32, #tpu.memory_space<vmem>>)
      tpu.yield
    }) : () -> ()
    %dma_start3A = arith.constant 0 : i32
    %dma_start3A_3 = arith.constant 0 : i32
    %dma_start3A_4 = arith.constant 0 : i32
    %dma_start3A_5 = tpu.memref_slice %arg6[%dma_start3A_3, %dma_start3A_4] : memref<1024x64xf32, #tpu.memory_space<vmem>> -> memref<128x64xf32, #tpu.memory_space<vmem>>
    %dma_start3A_6 = arith.constant 0 : i32
    %dma_start3A_7 = tpu.memref_slice %arg5[%dma_start3A, %dma_start3A_6] : memref<8x128xi32, #tpu.memory_space<vmem>> -> memref<1x128xi32, #tpu.memory_space<vmem>>
    %dma_start3A_8 = tpu.memref_squeeze %dma_start3A_7 : memref<1x128xi32, #tpu.memory_space<vmem>> -> memref<128xi32, #tpu.memory_space<vmem>>
    %dma_start3A_9 = arith.constant 0 : i32
    %dma_start3A_10 = arith.constant 0 : i32
    %dma_start3A_11 = tpu.memref_slice %arg2[%dma_start3A_9, %dma_start3A_10] : memref<8192x64xf32, #tpu.memory_space<hbm>> -> memref<8192x64xf32, #tpu.memory_space<hbm>>
    tpu.enqueue_indirect_dma source(%dma_start3A_11 : memref<8192x64xf32, #tpu.memory_space<hbm>>) target(%dma_start3A_5 : memref<128x64xf32, #tpu.memory_space<vmem>>) offsets(%dma_start3A_8 : memref<128xi32, #tpu.memory_space<vmem>>) semaphore(%arg7 : memref<!tpu.dma_semaphore, #tpu.memory_space<semaphore_mem>>)
    %dma_start3A_12 = arith.constant 1 : i32
    %dma_start3A_13 = arith.constant 128 : i32
    %dma_start3A_14 = arith.constant 0 : i32
    %dma_start3A_15 = tpu.memref_slice %arg6[%dma_start3A_13, %dma_start3A_14] : memref<1024x64xf32, #tpu.memory_space<vmem>> -> memref<128x64xf32, #tpu.memory_space<vmem>>
    %dma_start3A_16 = arith.constant 0 : i32
    %dma_start3A_17 = tpu.memref_slice %arg5[%dma_start3A_12, %dma_start3A_16] : memref<8x128xi32, #tpu.memory_space<vmem>> -> memref<1x128xi32, #tpu.memory_space<vmem>>
    %dma_start3A_18 = tpu.memref_squeeze %dma_start3A_17 : memref<1x128xi32, #tpu.memory_space<vmem>> -> memref<128xi32, #tpu.memory_space<vmem>>
    %dma_start3A_19 = arith.constant 0 : i32
    %dma_start3A_20 = arith.constant 0 : i32
    %dma_start3A_21 = tpu.memref_slice %arg2[%dma_start3A_19, %dma_start3A_20] : memref<8192x64xf32, #tpu.memory_space<hbm>> -> memref<8192x64xf32, #tpu.memory_space<hbm>>
    tpu.enqueue_indirect_dma source(%dma_start3A_21 : memref<8192x64xf32, #tpu.memory_space<hbm>>) target(%dma_start3A_15 : memref<128x64xf32, #tpu.memory_space<vmem>>) offsets(%dma_start3A_18 : memref<128xi32, #tpu.memory_space<vmem>>) semaphore(%arg7 : memref<!tpu.dma_semaphore, #tpu.memory_space<semaphore_mem>>)
    %dma_start3A_22 = arith.constant 2 : i32
    %dma_start3A_23 = arith.constant 256 : i32
    %dma_start3A_24 = arith.constant 0 : i32
    %dma_start3A_25 = tpu.memref_slice %arg6[%dma_start3A_23, %dma_start3A_24] : memref<1024x64xf32, #tpu.memory_space<vmem>> -> memref<128x64xf32, #tpu.memory_space<vmem>>
    %dma_start3A_26 = arith.constant 0 : i32
    %dma_start3A_27 = tpu.memref_slice %arg5[%dma_start3A_22, %dma_start3A_26] : memref<8x128xi32, #tpu.memory_space<vmem>> -> memref<1x128xi32, #tpu.memory_space<vmem>>
    %dma_start3A_28 = tpu.memref_squeeze %dma_start3A_27 : memref<1x128xi32, #tpu.memory_space<vmem>> -> memref<128xi32, #tpu.memory_space<vmem>>
    %dma_start3A_29 = arith.constant 0 : i32
    %dma_start3A_30 = arith.constant 0 : i32
    %dma_start3A_31 = tpu.memref_slice %arg2[%dma_start3A_29, %dma_start3A_30] : memref<8192x64xf32, #tpu.memory_space<hbm>> -> memref<8192x64xf32, #tpu.memory_space<hbm>>
    tpu.enqueue_indirect_dma source(%dma_start3A_31 : memref<8192x64xf32, #tpu.memory_space<hbm>>) target(%dma_start3A_25 : memref<128x64xf32, #tpu.memory_space<vmem>>) offsets(%dma_start3A_28 : memref<128xi32, #tpu.memory_space<vmem>>) semaphore(%arg7 : memref<!tpu.dma_semaphore, #tpu.memory_space<semaphore_mem>>)
    %dma_start3A_32 = arith.constant 3 : i32
    %dma_start3A_33 = arith.constant 384 : i32
    %dma_start3A_34 = arith.constant 0 : i32
    %dma_start3A_35 = tpu.memref_slice %arg6[%dma_start3A_33, %dma_start3A_34] : memref<1024x64xf32, #tpu.memory_space<vmem>> -> memref<128x64xf32, #tpu.memory_space<vmem>>
    %dma_start3A_36 = arith.constant 0 : i32
    %dma_start3A_37 = tpu.memref_slice %arg5[%dma_start3A_32, %dma_start3A_36] : memref<8x128xi32, #tpu.memory_space<vmem>> -> memref<1x128xi32, #tpu.memory_space<vmem>>
    %dma_start3A_38 = tpu.memref_squeeze %dma_start3A_37 : memref<1x128xi32, #tpu.memory_space<vmem>> -> memref<128xi32, #tpu.memory_space<vmem>>
    %dma_start3A_39 = arith.constant 0 : i32
    %dma_start3A_40 = arith.constant 0 : i32
    %dma_start3A_41 = tpu.memref_slice %arg2[%dma_start3A_39, %dma_start3A_40] : memref<8192x64xf32, #tpu.memory_space<hbm>> -> memref<8192x64xf32, #tpu.memory_space<hbm>>
    tpu.enqueue_indirect_dma source(%dma_start3A_41 : memref<8192x64xf32, #tpu.memory_space<hbm>>) target(%dma_start3A_35 : memref<128x64xf32, #tpu.memory_space<vmem>>) offsets(%dma_start3A_38 : memref<128xi32, #tpu.memory_space<vmem>>) semaphore(%arg7 : memref<!tpu.dma_semaphore, #tpu.memory_space<semaphore_mem>>)
    %dma_start3A_42 = arith.constant 4 : i32
    %dma_start3A_43 = arith.constant 512 : i32
    %dma_start3A_44 = arith.constant 0 : i32
    %dma_start3A_45 = tpu.memref_slice %arg6[%dma_start3A_43, %dma_start3A_44] : memref<1024x64xf32, #tpu.memory_space<vmem>> -> memref<128x64xf32, #tpu.memory_space<vmem>>
    %dma_start3A_46 = arith.constant 0 : i32
    %dma_start3A_47 = tpu.memref_slice %arg5[%dma_start3A_42, %dma_start3A_46] : memref<8x128xi32, #tpu.memory_space<vmem>> -> memref<1x128xi32, #tpu.memory_space<vmem>>
    %dma_start3A_48 = tpu.memref_squeeze %dma_start3A_47 : memref<1x128xi32, #tpu.memory_space<vmem>> -> memref<128xi32, #tpu.memory_space<vmem>>
    %dma_start3A_49 = arith.constant 0 : i32
    %dma_start3A_50 = arith.constant 0 : i32
    %dma_start3A_51 = tpu.memref_slice %arg2[%dma_start3A_49, %dma_start3A_50] : memref<8192x64xf32, #tpu.memory_space<hbm>> -> memref<8192x64xf32, #tpu.memory_space<hbm>>
    tpu.enqueue_indirect_dma source(%dma_start3A_51 : memref<8192x64xf32, #tpu.memory_space<hbm>>) target(%dma_start3A_45 : memref<128x64xf32, #tpu.memory_space<vmem>>) offsets(%dma_start3A_48 : memref<128xi32, #tpu.memory_space<vmem>>) semaphore(%arg7 : memref<!tpu.dma_semaphore, #tpu.memory_space<semaphore_mem>>)
    %dma_start3A_52 = arith.constant 5 : i32
    %dma_start3A_53 = arith.constant 640 : i32
    %dma_start3A_54 = arith.constant 0 : i32
    %dma_start3A_55 = tpu.memref_slice %arg6[%dma_start3A_53, %dma_start3A_54] : memref<1024x64xf32, #tpu.memory_space<vmem>> -> memref<128x64xf32, #tpu.memory_space<vmem>>
    %dma_start3A_56 = arith.constant 0 : i32
    %dma_start3A_57 = tpu.memref_slice %arg5[%dma_start3A_52, %dma_start3A_56] : memref<8x128xi32, #tpu.memory_space<vmem>> -> memref<1x128xi32, #tpu.memory_space<vmem>>
    %dma_start3A_58 = tpu.memref_squeeze %dma_start3A_57 : memref<1x128xi32, #tpu.memory_space<vmem>> -> memref<128xi32, #tpu.memory_space<vmem>>
    %dma_start3A_59 = arith.constant 0 : i32
    %dma_start3A_60 = arith.constant 0 : i32
    %dma_start3A_61 = tpu.memref_slice %arg2[%dma_start3A_59, %dma_start3A_60] : memref<8192x64xf32, #tpu.memory_space<hbm>> -> memref<8192x64xf32, #tpu.memory_space<hbm>>
    tpu.enqueue_indirect_dma source(%dma_start3A_61 : memref<8192x64xf32, #tpu.memory_space<hbm>>) target(%dma_start3A_55 : memref<128x64xf32, #tpu.memory_space<vmem>>) offsets(%dma_start3A_58 : memref<128xi32, #tpu.memory_space<vmem>>) semaphore(%arg7 : memref<!tpu.dma_semaphore, #tpu.memory_space<semaphore_mem>>)
    %dma_start3A_62 = arith.constant 6 : i32
    %dma_start3A_63 = arith.constant 768 : i32
    %dma_start3A_64 = arith.constant 0 : i32
    %dma_start3A_65 = tpu.memref_slice %arg6[%dma_start3A_63, %dma_start3A_64] : memref<1024x64xf32, #tpu.memory_space<vmem>> -> memref<128x64xf32, #tpu.memory_space<vmem>>
    %dma_start3A_66 = arith.constant 0 : i32
    %dma_start3A_67 = tpu.memref_slice %arg5[%dma_start3A_62, %dma_start3A_66] : memref<8x128xi32, #tpu.memory_space<vmem>> -> memref<1x128xi32, #tpu.memory_space<vmem>>
    %dma_start3A_68 = tpu.memref_squeeze %dma_start3A_67 : memref<1x128xi32, #tpu.memory_space<vmem>> -> memref<128xi32, #tpu.memory_space<vmem>>
    %dma_start3A_69 = arith.constant 0 : i32
    %dma_start3A_70 = arith.constant 0 : i32
    %dma_start3A_71 = tpu.memref_slice %arg2[%dma_start3A_69, %dma_start3A_70] : memref<8192x64xf32, #tpu.memory_space<hbm>> -> memref<8192x64xf32, #tpu.memory_space<hbm>>
    tpu.enqueue_indirect_dma source(%dma_start3A_71 : memref<8192x64xf32, #tpu.memory_space<hbm>>) target(%dma_start3A_65 : memref<128x64xf32, #tpu.memory_space<vmem>>) offsets(%dma_start3A_68 : memref<128xi32, #tpu.memory_space<vmem>>) semaphore(%arg7 : memref<!tpu.dma_semaphore, #tpu.memory_space<semaphore_mem>>)
    %dma_start3A_72 = arith.constant 7 : i32
    %dma_start3A_73 = arith.constant 896 : i32
    %dma_start3A_74 = arith.constant 0 : i32
    %dma_start3A_75 = tpu.memref_slice %arg6[%dma_start3A_73, %dma_start3A_74] : memref<1024x64xf32, #tpu.memory_space<vmem>> -> memref<128x64xf32, #tpu.memory_space<vmem>>
    %dma_start3A_76 = arith.constant 0 : i32
    %dma_start3A_77 = tpu.memref_slice %arg5[%dma_start3A_72, %dma_start3A_76] : memref<8x128xi32, #tpu.memory_space<vmem>> -> memref<1x128xi32, #tpu.memory_space<vmem>>
    %dma_start3A_78 = tpu.memref_squeeze %dma_start3A_77 : memref<1x128xi32, #tpu.memory_space<vmem>> -> memref<128xi32, #tpu.memory_space<vmem>>
    %dma_start3A_79 = arith.constant 0 : i32
    %dma_start3A_80 = arith.constant 0 : i32
    %dma_start3A_81 = tpu.memref_slice %arg2[%dma_start3A_79, %dma_start3A_80] : memref<8192x64xf32, #tpu.memory_space<hbm>> -> memref<8192x64xf32, #tpu.memory_space<hbm>>
    tpu.enqueue_indirect_dma source(%dma_start3A_81 : memref<8192x64xf32, #tpu.memory_space<hbm>>) target(%dma_start3A_75 : memref<128x64xf32, #tpu.memory_space<vmem>>) offsets(%dma_start3A_78 : memref<128xi32, #tpu.memory_space<vmem>>) semaphore(%arg7 : memref<!tpu.dma_semaphore, #tpu.memory_space<semaphore_mem>>)
    %dma_wait3A = arith.constant 0 : i32
    %dma_wait3A_82 = arith.constant 0 : i32
    %dma_wait3A_83 = arith.constant 0 : i32
    %dma_wait3A_84 = tpu.memref_slice %arg6[%dma_wait3A_82, %dma_wait3A_83] : memref<1024x64xf32, #tpu.memory_space<vmem>> -> memref<128x64xf32, #tpu.memory_space<vmem>>
    %dma_wait3A_85 = arith.constant 0 : i32
    %dma_wait3A_86 = tpu.memref_slice %arg5[%dma_wait3A, %dma_wait3A_85] : memref<8x128xi32, #tpu.memory_space<vmem>> -> memref<1x128xi32, #tpu.memory_space<vmem>>
    %dma_wait3A_87 = tpu.memref_squeeze %dma_wait3A_86 : memref<1x128xi32, #tpu.memory_space<vmem>> -> memref<128xi32, #tpu.memory_space<vmem>>
    %dma_wait3A_88 = arith.constant 0 : i32
    %dma_wait3A_89 = arith.constant 0 : i32
    %dma_wait3A_90 = tpu.memref_slice %arg2[%dma_wait3A_88, %dma_wait3A_89] : memref<8192x64xf32, #tpu.memory_space<hbm>> -> memref<8192x64xf32, #tpu.memory_space<hbm>>
    tpu.wait_indirect_dma semaphore(%arg7 : memref<!tpu.dma_semaphore, #tpu.memory_space<semaphore_mem>>) src(%dma_wait3A_90 : memref<8192x64xf32, #tpu.memory_space<hbm>>) dst(%dma_wait3A_84 : memref<128x64xf32, #tpu.memory_space<vmem>>)
    %dma_wait3A_91 = arith.constant 1 : i32
    %dma_wait3A_92 = arith.constant 128 : i32
    %dma_wait3A_93 = arith.constant 0 : i32
    %dma_wait3A_94 = tpu.memref_slice %arg6[%dma_wait3A_92, %dma_wait3A_93] : memref<1024x64xf32, #tpu.memory_space<vmem>> -> memref<128x64xf32, #tpu.memory_space<vmem>>
    %dma_wait3A_95 = arith.constant 0 : i32
    %dma_wait3A_96 = tpu.memref_slice %arg5[%dma_wait3A_91, %dma_wait3A_95] : memref<8x128xi32, #tpu.memory_space<vmem>> -> memref<1x128xi32, #tpu.memory_space<vmem>>
    %dma_wait3A_97 = tpu.memref_squeeze %dma_wait3A_96 : memref<1x128xi32, #tpu.memory_space<vmem>> -> memref<128xi32, #tpu.memory_space<vmem>>
    %dma_wait3A_98 = arith.constant 0 : i32
    %dma_wait3A_99 = arith.constant 0 : i32
    %dma_wait3A_100 = tpu.memref_slice %arg2[%dma_wait3A_98, %dma_wait3A_99] : memref<8192x64xf32, #tpu.memory_space<hbm>> -> memref<8192x64xf32, #tpu.memory_space<hbm>>
    tpu.wait_indirect_dma semaphore(%arg7 : memref<!tpu.dma_semaphore, #tpu.memory_space<semaphore_mem>>) src(%dma_wait3A_100 : memref<8192x64xf32, #tpu.memory_space<hbm>>) dst(%dma_wait3A_94 : memref<128x64xf32, #tpu.memory_space<vmem>>)
    %dma_wait3A_101 = arith.constant 2 : i32
    %dma_wait3A_102 = arith.constant 256 : i32
    %dma_wait3A_103 = arith.constant 0 : i32
    %dma_wait3A_104 = tpu.memref_slice %arg6[%dma_wait3A_102, %dma_wait3A_103] : memref<1024x64xf32, #tpu.memory_space<vmem>> -> memref<128x64xf32, #tpu.memory_space<vmem>>
    %dma_wait3A_105 = arith.constant 0 : i32
    %dma_wait3A_106 = tpu.memref_slice %arg5[%dma_wait3A_101, %dma_wait3A_105] : memref<8x128xi32, #tpu.memory_space<vmem>> -> memref<1x128xi32, #tpu.memory_space<vmem>>
    %dma_wait3A_107 = tpu.memref_squeeze %dma_wait3A_106 : memref<1x128xi32, #tpu.memory_space<vmem>> -> memref<128xi32, #tpu.memory_space<vmem>>
    %dma_wait3A_108 = arith.constant 0 : i32
    %dma_wait3A_109 = arith.constant 0 : i32
    %dma_wait3A_110 = tpu.memref_slice %arg2[%dma_wait3A_108, %dma_wait3A_109] : memref<8192x64xf32, #tpu.memory_space<hbm>> -> memref<8192x64xf32, #tpu.memory_space<hbm>>
    tpu.wait_indirect_dma semaphore(%arg7 : memref<!tpu.dma_semaphore, #tpu.memory_space<semaphore_mem>>) src(%dma_wait3A_110 : memref<8192x64xf32, #tpu.memory_space<hbm>>) dst(%dma_wait3A_104 : memref<128x64xf32, #tpu.memory_space<vmem>>)
    %dma_wait3A_111 = arith.constant 3 : i32
    %dma_wait3A_112 = arith.constant 384 : i32
    %dma_wait3A_113 = arith.constant 0 : i32
    %dma_wait3A_114 = tpu.memref_slice %arg6[%dma_wait3A_112, %dma_wait3A_113] : memref<1024x64xf32, #tpu.memory_space<vmem>> -> memref<128x64xf32, #tpu.memory_space<vmem>>
    %dma_wait3A_115 = arith.constant 0 : i32
    %dma_wait3A_116 = tpu.memref_slice %arg5[%dma_wait3A_111, %dma_wait3A_115] : memref<8x128xi32, #tpu.memory_space<vmem>> -> memref<1x128xi32, #tpu.memory_space<vmem>>
    %dma_wait3A_117 = tpu.memref_squeeze %dma_wait3A_116 : memref<1x128xi32, #tpu.memory_space<vmem>> -> memref<128xi32, #tpu.memory_space<vmem>>
    %dma_wait3A_118 = arith.constant 0 : i32
    %dma_wait3A_119 = arith.constant 0 : i32
    %dma_wait3A_120 = tpu.memref_slice %arg2[%dma_wait3A_118, %dma_wait3A_119] : memref<8192x64xf32, #tpu.memory_space<hbm>> -> memref<8192x64xf32, #tpu.memory_space<hbm>>
    tpu.wait_indirect_dma semaphore(%arg7 : memref<!tpu.dma_semaphore, #tpu.memory_space<semaphore_mem>>) src(%dma_wait3A_120 : memref<8192x64xf32, #tpu.memory_space<hbm>>) dst(%dma_wait3A_114 : memref<128x64xf32, #tpu.memory_space<vmem>>)
    %dma_wait3A_121 = arith.constant 4 : i32
    %dma_wait3A_122 = arith.constant 512 : i32
    %dma_wait3A_123 = arith.constant 0 : i32
    %dma_wait3A_124 = tpu.memref_slice %arg6[%dma_wait3A_122, %dma_wait3A_123] : memref<1024x64xf32, #tpu.memory_space<vmem>> -> memref<128x64xf32, #tpu.memory_space<vmem>>
    %dma_wait3A_125 = arith.constant 0 : i32
    %dma_wait3A_126 = tpu.memref_slice %arg5[%dma_wait3A_121, %dma_wait3A_125] : memref<8x128xi32, #tpu.memory_space<vmem>> -> memref<1x128xi32, #tpu.memory_space<vmem>>
    %dma_wait3A_127 = tpu.memref_squeeze %dma_wait3A_126 : memref<1x128xi32, #tpu.memory_space<vmem>> -> memref<128xi32, #tpu.memory_space<vmem>>
    %dma_wait3A_128 = arith.constant 0 : i32
    %dma_wait3A_129 = arith.constant 0 : i32
    %dma_wait3A_130 = tpu.memref_slice %arg2[%dma_wait3A_128, %dma_wait3A_129] : memref<8192x64xf32, #tpu.memory_space<hbm>> -> memref<8192x64xf32, #tpu.memory_space<hbm>>
    tpu.wait_indirect_dma semaphore(%arg7 : memref<!tpu.dma_semaphore, #tpu.memory_space<semaphore_mem>>) src(%dma_wait3A_130 : memref<8192x64xf32, #tpu.memory_space<hbm>>) dst(%dma_wait3A_124 : memref<128x64xf32, #tpu.memory_space<vmem>>)
    %dma_wait3A_131 = arith.constant 5 : i32
    %dma_wait3A_132 = arith.constant 640 : i32
    %dma_wait3A_133 = arith.constant 0 : i32
    %dma_wait3A_134 = tpu.memref_slice %arg6[%dma_wait3A_132, %dma_wait3A_133] : memref<1024x64xf32, #tpu.memory_space<vmem>> -> memref<128x64xf32, #tpu.memory_space<vmem>>
    %dma_wait3A_135 = arith.constant 0 : i32
    %dma_wait3A_136 = tpu.memref_slice %arg5[%dma_wait3A_131, %dma_wait3A_135] : memref<8x128xi32, #tpu.memory_space<vmem>> -> memref<1x128xi32, #tpu.memory_space<vmem>>
    %dma_wait3A_137 = tpu.memref_squeeze %dma_wait3A_136 : memref<1x128xi32, #tpu.memory_space<vmem>> -> memref<128xi32, #tpu.memory_space<vmem>>
    %dma_wait3A_138 = arith.constant 0 : i32
    %dma_wait3A_139 = arith.constant 0 : i32
    %dma_wait3A_140 = tpu.memref_slice %arg2[%dma_wait3A_138, %dma_wait3A_139] : memref<8192x64xf32, #tpu.memory_space<hbm>> -> memref<8192x64xf32, #tpu.memory_space<hbm>>
    tpu.wait_indirect_dma semaphore(%arg7 : memref<!tpu.dma_semaphore, #tpu.memory_space<semaphore_mem>>) src(%dma_wait3A_140 : memref<8192x64xf32, #tpu.memory_space<hbm>>) dst(%dma_wait3A_134 : memref<128x64xf32, #tpu.memory_space<vmem>>)
    %dma_wait3A_141 = arith.constant 6 : i32
    %dma_wait3A_142 = arith.constant 768 : i32
    %dma_wait3A_143 = arith.constant 0 : i32
    %dma_wait3A_144 = tpu.memref_slice %arg6[%dma_wait3A_142, %dma_wait3A_143] : memref<1024x64xf32, #tpu.memory_space<vmem>> -> memref<128x64xf32, #tpu.memory_space<vmem>>
    %dma_wait3A_145 = arith.constant 0 : i32
    %dma_wait3A_146 = tpu.memref_slice %arg5[%dma_wait3A_141, %dma_wait3A_145] : memref<8x128xi32, #tpu.memory_space<vmem>> -> memref<1x128xi32, #tpu.memory_space<vmem>>
    %dma_wait3A_147 = tpu.memref_squeeze %dma_wait3A_146 : memref<1x128xi32, #tpu.memory_space<vmem>> -> memref<128xi32, #tpu.memory_space<vmem>>
    %dma_wait3A_148 = arith.constant 0 : i32
    %dma_wait3A_149 = arith.constant 0 : i32
    %dma_wait3A_150 = tpu.memref_slice %arg2[%dma_wait3A_148, %dma_wait3A_149] : memref<8192x64xf32, #tpu.memory_space<hbm>> -> memref<8192x64xf32, #tpu.memory_space<hbm>>
    tpu.wait_indirect_dma semaphore(%arg7 : memref<!tpu.dma_semaphore, #tpu.memory_space<semaphore_mem>>) src(%dma_wait3A_150 : memref<8192x64xf32, #tpu.memory_space<hbm>>) dst(%dma_wait3A_144 : memref<128x64xf32, #tpu.memory_space<vmem>>)
    %dma_wait3A_151 = arith.constant 7 : i32
    %dma_wait3A_152 = arith.constant 896 : i32
    %dma_wait3A_153 = arith.constant 0 : i32
    %dma_wait3A_154 = tpu.memref_slice %arg6[%dma_wait3A_152, %dma_wait3A_153] : memref<1024x64xf32, #tpu.memory_space<vmem>> -> memref<128x64xf32, #tpu.memory_space<vmem>>
    %dma_wait3A_155 = arith.constant 0 : i32
    %dma_wait3A_156 = tpu.memref_slice %arg5[%dma_wait3A_151, %dma_wait3A_155] : memref<8x128xi32, #tpu.memory_space<vmem>> -> memref<1x128xi32, #tpu.memory_space<vmem>>
    %dma_wait3A_157 = tpu.memref_squeeze %dma_wait3A_156 : memref<1x128xi32, #tpu.memory_space<vmem>> -> memref<128xi32, #tpu.memory_space<vmem>>
    %dma_wait3A_158 = arith.constant 0 : i32
    %dma_wait3A_159 = arith.constant 0 : i32
    %dma_wait3A_160 = tpu.memref_slice %arg2[%dma_wait3A_158, %dma_wait3A_159] : memref<8192x64xf32, #tpu.memory_space<hbm>> -> memref<8192x64xf32, #tpu.memory_space<hbm>>
    tpu.wait_indirect_dma semaphore(%arg7 : memref<!tpu.dma_semaphore, #tpu.memory_space<semaphore_mem>>) src(%dma_wait3A_160 : memref<8192x64xf32, #tpu.memory_space<hbm>>) dst(%dma_wait3A_154 : memref<128x64xf32, #tpu.memory_space<vmem>>)
    %mul3A_161 = arith.constant 1024 : i32
    %mul3A_162 = arith.muli %add3A, %mul3A_161 : i32
    "tpu.region"() ({
      %run_scoped3A = tpu.sem_alloc : memref<!tpu.dma_semaphore, #tpu.memory_space<semaphore_mem>>
      %dma_start3A_163 = arith.constant 0 : i32
      %dma_start3A_164 = tpu.memref_slice %arg4[%mul3A_162, %dma_start3A_163] : memref<32768x64xf32, #tpu.memory_space<hbm>> -> memref<1024x64xf32, #tpu.memory_space<hbm>>
      %dma_start3A_165 = arith.constant 0 : i32
      %dma_start3A_166 = tpu.memref_slice %arg4[%mul3A_162, %dma_start3A_165] : memref<32768x64xf32, #tpu.memory_space<hbm>> -> memref<1024x64xf32, #tpu.memory_space<hbm>>
      tpu.enqueue_dma source(%arg6 : memref<1024x64xf32, #tpu.memory_space<vmem>>) target(%dma_start3A_166 : memref<1024x64xf32, #tpu.memory_space<hbm>>) target_semaphore(%run_scoped3A : memref<!tpu.dma_semaphore, #tpu.memory_space<semaphore_mem>>)
      %dma_wait3A_167 = arith.constant 0 : i32
      %dma_wait3A_168 = tpu.memref_slice %arg4[%mul3A_162, %dma_wait3A_167] : memref<32768x64xf32, #tpu.memory_space<hbm>> -> memref<1024x64xf32, #tpu.memory_space<hbm>>
      %dma_wait3A_169 = arith.constant 0 : i32
      %dma_wait3A_170 = tpu.memref_slice %arg4[%mul3A_162, %dma_wait3A_169] : memref<32768x64xf32, #tpu.memory_space<hbm>> -> memref<1024x64xf32, #tpu.memory_space<hbm>>
      tpu.wait_dma2 semaphore(%run_scoped3A : memref<!tpu.dma_semaphore, #tpu.memory_space<semaphore_mem>>) src(%arg6 : memref<1024x64xf32, #tpu.memory_space<vmem>>) dst(%dma_wait3A_170 : memref<1024x64xf32, #tpu.memory_space<hbm>>)
      tpu.yield
    }) : () -> ()
    return
  }
}

module attributes {stable_mosaic.version = 14 : i64} {
  func.func @_dist_min_body(%arg0: i32, %arg1: memref<256x64xf32, #tpu.memory_space<vmem>>, %arg2: memref<64x8192xf32, #tpu.memory_space<vmem>>, %arg3: memref<256x1xf32, #tpu.memory_space<vmem>>) attributes {dimension_semantics = [#tpu.dimension_semantics<arbitrary>], iteration_bounds = array<i64: 128>, scalar_prefetch = 0 : i64, scratch_operands = 0 : i64, tpu.core_type = #tpu.core_type<tc>, window_params = [{transform_indices = @transform_0, window_bounds = array<i64: 256, 64>}, {pipeline_mode = #tpu.pipeline_mode<synchronous>, transform_indices = @transform_1, window_bounds = array<i64: 64, 8192>}, {transform_indices = @transform_2, window_bounds = array<i64: 256, 1>}]} {
    %get3A = arith.constant 0 : index
    %get3A_0 = arith.constant 0 : index
    %get3A_1 = vector.load %arg1[%get3A, %get3A_0] : memref<256x64xf32, #tpu.memory_space<vmem>>, vector<256x64xf32>
    %get3A_2 = arith.constant 0 : index
    %get3A_3 = arith.constant 0 : index
    %get3A_4 = vector.load %arg2[%get3A_2, %get3A_3] : memref<64x8192xf32, #tpu.memory_space<vmem>>, vector<64x8192xf32>
    %dot_general3A = arith.constant dense<0.000000e+00> : vector<256x8192xf32>
    %dot_general3A_5 = tpu.matmul %get3A_1, %get3A_4, %dot_general3A {dimension_numbers = #tpu.dot_dimension_numbers<[1], [0], [0], [1], [0, 0, 1, 1], [], []>, transpose_lhs_hint = false} : vector<256x64xf32>, vector<64x8192xf32>, vector<256x8192xf32> -> vector<256x8192xf32>
    %mul3A = arith.mulf %get3A_1, %get3A_1 : vector<256x64xf32>
    %reduce_sum3A = arith.constant dense<0.000000e+00> : vector<256xf32>
    %reduce_sum3A_6 = vector.multi_reduction <add>, %mul3A, %reduce_sum3A [1] : vector<256x64xf32> to vector<256xf32>
    %mul3A_7 = arith.mulf %get3A_4, %get3A_4 : vector<64x8192xf32>
    %reduce_sum3A_8 = arith.constant dense<0.000000e+00> : vector<8192xf32>
    %reduce_sum3A_9 = vector.multi_reduction <add>, %mul3A_7, %reduce_sum3A_8 [0] : vector<64x8192xf32> to vector<8192xf32>
    %broadcast_in_dim3A = vector.shape_cast %reduce_sum3A_9 : vector<8192xf32> to vector<1x8192xf32>
    %mul3A_10 = arith.constant 2.000000e+00 : f32
    %mul3A_11 = vector.broadcast %mul3A_10 : f32 to vector<256x8192xf32>
    %mul3A_12 = arith.mulf %mul3A_11, %dot_general3A_5 : vector<256x8192xf32>
    %sub3A = vector.broadcast %broadcast_in_dim3A : vector<1x8192xf32> to vector<256x8192xf32>
    %sub3A_13 = arith.subf %sub3A, %mul3A_12 : vector<256x8192xf32>
    %reduce_min3A = arith.constant dense<0x7F800000> : vector<256xf32>
    %reduce_min3A_14 = vector.multi_reduction <minimumf>, %sub3A_13, %reduce_min3A [1] : vector<256x8192xf32> to vector<256xf32>
    %add3A = arith.addf %reduce_min3A_14, %reduce_sum3A_6 : vector<256xf32>
    %reshape3A = vector.shape_cast %add3A : vector<256xf32> to vector<256x1xf32>
    %swap3A = arith.constant 0 : index
    %swap3A_15 = arith.constant 0 : index
    %swap3A_16 = vector.load %arg3[%swap3A, %swap3A_15] : memref<256x1xf32, #tpu.memory_space<vmem>>, vector<256x1xf32>
    tpu.vector_store %arg3[%swap3A, %swap3A_15], %reshape3A {strides = array<i32>} : memref<256x1xf32, #tpu.memory_space<vmem>>, vector<256x1xf32>,
    return
  }
  func.func @transform_0(%arg0: i32) -> (i32, i32) {
    %c0_i32 = arith.constant 0 : i32
    %c0_i32_0 = arith.constant 0 : i32
    return %arg0, %c0_i32 : i32, i32
  }
  func.func @transform_1(%arg0: i32) -> (i32, i32) {
    %c0_i32 = arith.constant 0 : i32
    %c0_i32_0 = arith.constant 0 : i32
    %c0_i32_1 = arith.constant 0 : i32
    return %c0_i32, %c0_i32_0 : i32, i32
  }
  func.func @transform_2(%arg0: i32) -> (i32, i32) {
    %c0_i32 = arith.constant 0 : i32
    %c0_i32_0 = arith.constant 0 : i32
    return %arg0, %c0_i32 : i32, i32
  }
}

</mosaic_0001>

<sc_bundles>
// kernel: kernel.4.cloned.1.call-start
scs
__scs_entry_jumppad:
0x0: {  	(pc) =	sbr.rel $0x88, $3  }
0x1: {  	(tag) =	ssettag $0x0;
	lr =	simm.s32 $0x1  }
0x2: {  	[smem:$0x3F9F] =	sst lr;
	_ =	strace $0xD0000000  }
0x3: {  	_ = 	snop  }
0x4: {  	_ = 	snop  }
0x5: {  	_ = 	snop  }
0x6: {  	_ = 	snop  }
0x7: {  	_ = 	snop  }
__scs_overlays_trampoline_lowered:
0x8: {  	[smem:$0x3FAE] =	sst s0  }
0x9: {  	[smem:$0x3FAF] =	sst s1  }
0xa: {  	[smem:$0x3FB0] =	sst s2  }
0xb: {  	[smem:$0x3FB1] =	sst s3  }
0xc: {  	[smem:$0x3FB2] =	sst s4  }
0xd: {  	[smem:$0x3FB3] =	sst s5  }
0xe: {  	[smem:$0x3FB4] =	sst s6  }
0xf: {  	[smem:$0x3FB5] =	sst s7  }
0x10: {  	[smem:$0x3FB6] =	sst s8  }
0x11: {  	[smem:$0x3FB7] =	sst s9;
	s0 =	simm.s32 @!p0 $0x0  }
0x12: {  	s1 =	sld [smem:$0x3F9D];
	s0 =	simm.s32 @p0 $0x1  }
0x13: {  	[smem:$0x3FB8] =	sst s0;
	s0 =	simm.s32 @!p1 $0x0  }
0x14: {  	s2 =	sld [smem:$0x3F9C];
	s0 =	simm.s32 @p1 $0x1  }
0x15: {  	[smem:$0x3FB9] =	sst s0;
	s0 =	simm.s32 @!p2 $0x0  }
0x16: {  	s3 =	sld [smem:$0x3FDB];
	s0 =	simm.s32 @p2 $0x1  }
0x17: {  	s4 =	simm.s32 $0x1BF5;
	[smem:$0x3FBB] =	sst s0  }
0x18: {  	s0 =	sld [smem:$0x3F9E];
	_ =	swait.ge [sflag:s4], $0x0  }
0x19: {  	s7 =	sld [smem:$0x3F9F]  }
0x1a: {  	s8 =	sadd.s32 $0xFFFFE003, lr  }
0x1b: {  	s9 =	sadd.s32 $0xFFFFFEF7, lr;
	s5 =	simm.s32 $0xFFFFFFFF;
	p2 =	slt.u32 s8, $0xFFFFF086  }
0x1c: {  	p1 =	slt.u32 s9, $0xF7A;
	s5 =	simm.s32 @!p2 $0x0  }
0x1d: {  	s5 =	simm.s32 @p1 $0x1;
	p0 =	seq.s32 s7, s2  }
0x1e: {  	s7 =	smul.u32 @!p0 $0xF7A, s2;
	p2 =	seq.s32 @!p0 s5, $0x0  }
0x1f: {  	s9 =	smul.u32 $0xF7A, s1;
	s8 =	simm.s32 @!p0 $0x1BF5;
	p2 =	por !p2, p0  }
0x20: {  	[sflag:s8] =	ssyncset.s32 @!p0 $0xFFFFF086;
	s6 =	sadd.s32 @!p0 s3, s7;
	s7 =	simm.s32 @!p0 $0x108  }
0x21: {  	s3 =	sadd.s32 s3, s9;
	s6 =	sadd.s32 @!p0 $0x88, s6;
	s7 =	simm.s32 @p2 $0x1082  }
0x22: {  	[simem:s7], [sflag:s8] =	dma.local @!p0 [hbm:s6], $0xF7A  }
0x23: {  	s9 =	sor.u32 $0xD0000000, s2;
	s6 =	simm.s32 $0x108;
	_ =	swait.ge @!p0 [sflag:s8], $0x0  }
0x24: {  	s3 =	sadd.s32 $0x88, s3;
	s6 =	simm.s32 @!p1 $0x1082;
	[sflag:s4] =	ssyncset.s32 $0xFFFFF086  }
0x25: {  	[simem:s6], [sflag:s4] =	dma.local [hbm:s3], $0xF7A  }
0x26: {  	[smem:$0x3F9F] =	sst s1;
	(tag) =	ssettag s2;
	_ =	strace s9  }
0x27: {  	s1 =	sld [smem:$0x3FAF]  }
0x28: {  	s2 =	sld [smem:$0x3FB0]  }
0x29: {  	s4 =	sld [smem:$0x3FB2]  }
0x2a: {  	p0 =	seq.s32 s5, $0x0;
	s5 =	sld [smem:$0x3FB3]  }
0x2b: {  	s6 =	sld [smem:$0x3FB4]  }
0x2c: {  	s7 =	sld [smem:$0x3FB5]  }
0x2d: {  	s3 =	simm.s32 $0x108;
	s8 =	sld [smem:$0x3FB6]  }
0x2e: {  	s3 =	simm.s32 @!p0 $0x1082;
	s9 =	sld [smem:$0x3FB7]  }
0x2f: {  	lr =	sadd.s32 s0, s3;
	s0 =	sld [smem:$0x3FAE]  }
0x30: {  	s3 =	sld [smem:$0x3FB1]  }
0x31: {  	[smem:$0x3FBA] =	sst s10  }
0x32: {  	s10 =	sld [smem:$0x3FB8];
	_ =	sdelay $0x3  }
0x33: {  	p0 =	seq.s32 s10, $0x1;
	s10 =	sld [smem:$0x3FBA];
	_ =	sdelay $0x3  }
0x34: {  	[smem:$0x3FBA] =	sst s10  }
0x35: {  	s10 =	sld [smem:$0x3FB9];
	_ =	sdelay $0x3  }
0x36: {  	p1 =	seq.s32 s10, $0x1;
	s10 =	sld [smem:$0x3FBA];
	_ =	sdelay $0x3  }
0x37: {  	[smem:$0x3FBA] =	sst s10  }
0x38: {  	s10 =	sld [smem:$0x3FBB]  }
0x39: {  	_ = 	snop;
	(pc) =	sbr.ind lr, $3  }
0x3a: {  	_ = 	snop  }
0x3b: {  	_ = 	snop  }
0x3c: {  	p2 =	seq.s32 s10, $0x1;
	s10 =	sld [smem:$0x3FBA]  }
0x3d: {  	_ =	shalt  }
0x3e: {  	_ =	shalt  }
0x3f: {  	_ =	shalt  }
0x40: {  	_ =	shalt  }
0x41: {  	_ =	shalt  }
0x42: {  	_ =	shalt  }
0x43: {  	_ =	shalt  }
0x44: {  	_ =	shalt  }
0x45: {  	_ =	shalt  }
0x46: {  	_ =	shalt  }
0x47: {  	_ =	shalt  }
0x48: {  	_ =	shalt  }
0x49: {  	_ =	shalt  }
0x4a: {  	_ =	shalt  }
0x4b: {  	_ =	shalt  }
0x4c: {  	_ =	shalt  }
0x4d: {  	_ =	shalt  }
0x4e: {  	_ =	shalt  }
0x4f: {  	_ =	shalt  }
0x50: {  	_ =	shalt  }
0x51: {  	_ =	shalt  }
0x52: {  	_ =	shalt  }
0x53: {  	_ =	shalt  }
0x54: {  	_ =	shalt  }
0x55: {  	_ =	shalt  }
0x56: {  	_ =	shalt  }
0x57: {  	_ =	shalt  }
0x58: {  	_ =	shalt  }
0x59: {  	_ =	shalt  }
0x5a: {  	_ =	shalt  }
0x5b: {  	_ =	shalt  }
0x5c: {  	_ =	shalt  }
0x5d: {  	_ =	shalt  }
0x5e: {  	_ =	shalt  }
0x5f: {  	_ =	shalt  }
0x60: {  	_ =	shalt  }
0x61: {  	_ =	shalt  }
0x62: {  	_ =	shalt  }
0x63: {  	_ =	shalt  }
0x64: {  	_ =	shalt  }
0x65: {  	_ =	shalt  }
0x66: {  	_ =	shalt  }
0x67: {  	_ =	shalt  }
0x68: {  	_ =	shalt  }
0x69: {  	_ =	shalt  }
0x6a: {  	_ =	shalt  }
0x6b: {  	_ =	shalt  }
0x6c: {  	_ =	shalt  }
0x6d: {  	_ =	shalt  }
0x6e: {  	_ =	shalt  }
0x6f: {  	_ =	shalt  }
0x70: {  	_ =	shalt  }
0x71: {  	_ =	shalt  }
0x72: {  	_ =	shalt  }
0x73: {  	_ =	shalt  }
0x74: {  	_ =	shalt  }
0x75: {  	_ =	shalt  }
0x76: {  	_ =	shalt  }
0x77: {  	_ =	shalt  }
0x78: {  	_ =	shalt  }
0x79: {  	_ =	shalt  }
0x7a: {  	_ =	shalt  }
0x7b: {  	_ =	shalt  }
0x7c: {  	_ =	shalt  }
0x7d: {  	_ =	shalt  }
0x7e: {  	_ =	shalt  }
0x7f: {  	_ =	shalt  }
0x80: {  	_ =	shalt  }
0x81: {  	_ =	shalt  }
0x82: {  	_ =	shalt  }
0x83: {  	_ =	shalt  }
0x84: {  	_ =	shalt  }
0x85: {  	_ =	shalt  }
0x86: {  	_ =	shalt  }
0x87: {  	_ =	shalt  }
.Lfunc_end0:
.L_simem_size_0:
called_computation_lowered:
.L_overlay_start_0:
0x88: {  	s2 =	sld [smem:$0x3FD9]  }
0x89: {  	s3 =	sld [smem:$0x3FFE];
	_ =	sdelay $0x1  }
0x8a: {  	s1 =	srdreg.scid  }
0x8b: {  	s0 =	sand.u32 $0x1, s1  }
0x8c: {  	s14 =	sshll.u32 s0, $0xA;
	s2 =	sadd.s32 s3, s2  }
0x8d: {  	s2 =	sadd.s32 s2, s14  }
0x8e: {  	[smem:$0x3FC6] =	sst s2  }
0x8f: {  	_ = 	snop  }
0x90: {  	s2 =	sld [smem:$0x3FD0];
	_ =	sdelay $0x2  }
0x91: {  	s15 =	simm.s32 $0xA;
	s4 =	simm.s32 $0x10  }
0x92: {  	[smem:s4], [sflag:s15] =	dma.local [hbm:s2], $0x1  }
0x93: {  	_ =	swait.eq [sflag:s15], $0x1  }
0x94: {  	[sflag:s15] =	ssyncset.done $0x0  }
0x95: {  	[sflag:s15] =	ssyncadd.s32 $0xFFFFFFFF  }
0x96: {  	s16 =	sld [smem:$0x10];
	(tm) =	ssettm $0x1  }
0x97: {  	s17 =	sld [smem:$0x3FFB];
	_ =	sdelay $0x3  }
0x98: {  	_ =	strace s17  }
0x99: {  	s3 =	sld [smem:$0x3FFC];
	_ =	sdelay $0x3  }
0x9a: {  	_ =	strace s3  }
0x9b: {  	s3 =	sld [smem:$0x3FFD];
	_ =	sdelay $0x3  }
0x9c: {  	_ =	strace s3  }
0x9d: {  	_ =	strace $0x8FFFFFFF  }
0x9e: {  	s18 =	sld [smem:$0x3FDB];
	_ =	sdelay $0x1  }
0x9f: {  	s19 =	simm.s32 $_scs_section_size  }
0xa0: {  	s5 =	simm.s32 $_size__tile_overlayer_lowered;
	s6 =	simm.s32 $_tile_overlayer_lowered  }
0xa1: {  	s22 =	simm.s32 $0x1BFF;
	s21 =	sshll.u32 s6, $0x1;
	s3 =	sadd.s32 s19, s18  }
0xa2: {  	s7 =	simm.s32 $0x0;
	s20 =	sshll.u32 s5, $0x1;
	s5 =	sadd.s32 s21, s3  }
0xa3: {  	[timem:s7], [sflag:s22] =	dma.local [hbm:s5], s20  }
0xa4: {  	_ =	swait.ge [sflag:s22], s20  }
0xa5: {  	s4 =	ssub.s32 $0x0, s20;
	[sflag:s22] =	ssyncset.done $0x0  }
0xa6: {  	[sflag:s22] =	ssyncadd.s32 s4;
	_ =	sdelay $0x1  }
0xa7: {  	s23 =	simm.s32 $0x1B8B  }
0xa8: {  	_ =	swait.ge [sflag:s23], $0x1  }
0xa9: {  	[sflag:s23] =	ssyncset.done $0x0  }
0xaa: {  	s25 =	simm.s32 $0x1B8E;
	s24 =	sld [smem:$0x3FFE];
	[sflag:s23] =	ssyncadd.s32 $0xFFFFFFFF  }
0xab: {  	s26 =	simm.s32 $execute0_lowered;
	[smem:$0x3FD2] =	sst s25  }
0xac: {  	s5 =	sshll.u32 s26, $0x1;
	_ =	strace $0x80000046;
	[dreg:$0x1] =	wrdreg $0xFFFFFFFF  }
0xad: {  	s28 =	simm.s32 $_size_execute0_lowered;
	s3 =	sadd.s32 s3, s5;
	[dreg:$0x0] =	wrdreg $0x0  }
0xae: {  	s5 =	sshll.u32 s28, $0x1;
	[dreg:$0x2] =	wrdreg s3  }
0xaf: {  	[dreg:$0x3] =	wrdreg s5  }
0xb0: {  	[dreg:$0x4] =	wrdreg $0xC0  }
0xb1: {  	_ =	task [dreg:s7], $0x5FFFF  }
0xb2: {  	[dreg:$0x1] =	wrdreg $0xFFFFFFFF  }
0xb3: {  	[dreg:$0x0] =	wrdreg $0x60  }
0xb4: {  	[dreg:$0x2] =	wrdreg s24  }
0xb5: {  	[dreg:$0x3] =	wrdreg s16  }
0xb6: {  	[dreg:$0x4] =	wrdreg $0x9  }
0xb7: {  	_ =	task.clear_ibuf [dreg:s7], $0x5FFFF;
	_ =	strace $0x90000046  }
0xb8: {  	s29 =	simm.s32 $0x9;
	_ =	strace $0x80000048  }
0xb9: {  	_ =	swait.ge [sflag:s29], $0x1  }
0xba: {  	[sflag:s29] =	ssyncadd.s32 $0xFFFFFFFF  }
0xbb: {  	_ =	strace $0x90000048  }
0xbc: {  	_ =	sfence  }
0xbd: {  	s30 =	sld [smem:$0x0];
	_ =	sdelay $0x2  }
0xbe: {  	s31 =	sshll.u32 s1, $0xD;
	s1 =	sshrl.u32 s1, $0x2  }
0xbf: {  	s3 =	sand.u32 $0x4000, s31;
	s1 =	sadd.s32 s1, s30  }
0xc0: {  	s0 =	sor.u32 s3, s0;
	s1 =	sshll.u32 s1, $0x11  }
0xc1: {  	s0 =	sor.u32 s1, s0  }
0xc2: {  	s0 =	sadd.s32 $0x8F2B, s0  }
0xc3: {  	[sflag:s0] =	ssyncadd.remote.s32 $0x1  }
0xc4: {  	_ =	sfence.sel $0xFFFF  }
0xc5: {  	[dreg:$0x0] =	wrdreg $0xFFFFFFFF;
	(pc) =	sbr.abs _section_cstart, $3  }
0xc6: {  	[dreg:$0x1] =	wrdreg $0xFFFFFFFF  }
0xc7: {  	_ =	task.clear_ibuf [dreg:s7], $0x2FFFF;
	_ =	strace $0x9FFFFFFF  }
0xc8: {  	(tm) =	ssettm $0x7FFFFFFF  }
0xc9: {  	_ =	shalt  }
tec
execute0_lowered:
.L_overlay_start_1:
0x0: {  	(tag) =	ssettag $0x1  }
0x1: {  	s1 =	srdreg.scid;
	s0 =	stileid.u32  }
0x2: {  	s5 =	rddreg [dreg:$0x0];
	s24 =	sand.u32 $0x1, s1;
	s30 =	sshll.u32 s0, $0x1  }
0x3: {  	s22 =	rddreg [dreg:$0x1];
	s23 =	sor.u32 s24, s30  }
0x4: {  	s2 =	simm.s32 $0x0;
	s1 =	rddreg [dreg:$0x2];
	s3 =	sshll.u32 s23, $0x7  }
0x5: {  	[smem:$0x7FF] =	sst s2;
	s3 =	sadd.s32 s3, s5  }
0x6: {  	_ =	strace $0x80000047;
	s4 =	sadd.s32 $0x90000, s3;
	s3 =	simm.s32 $0x2  }
0x7: {  	[tilespmem:s2], [sflag:$0x2] =	stream.linear.gather [hbm4b:s4+s2], $0x400, $0x38;
	[tilespmem:$0x10400] =	vst v63  }
0x8: {  	_ =	swait.ge [sflag:s3], $0x400  }
0x9: {  	s6 =	simm.s32 $0x80;
	[sflag:s3] =	ssyncset.done $0x0  }
0xa: {  	s7 =	simm.s32 $0x400;
	s5 =	sadd.s32 $0x80000, s5;
	[sflag:s3] =	ssyncadd.s32 $0xFFFFFC00  }
0xb: {  	[tilespmem:s7], [sflag:$0x1] =	stream.indirect.gather [hbm4b:s5+s6], $0x40, s2, s6, $0xb8;
	[tilespmem:$0x10400] =	vst v63  }
0xc: {  	s8 =	simm.s32 $0x2400  }
0xd: {  	[tilespmem:s8], [sflag:$0x1] =	stream.indirect.gather [hbm4b:s5+s6], $0x40, s6, s6, $0xb8;
	[tilespmem:$0x10400] =	vst v63  }
0xe: {  	s9 =	simm.s32 $0x100;
	s10 =	simm.s32 $0x4400  }
0xf: {  	[tilespmem:s10], [sflag:$0x1] =	stream.indirect.gather [hbm4b:s5+s6], $0x40, s9, s6, $0xb8;
	[tilespmem:$0x10400] =	vst v63  }
0x10: {  	s11 =	simm.s32 $0x180;
	s12 =	simm.s32 $0x6400  }
0x11: {  	[tilespmem:s12], [sflag:$0x1] =	stream.indirect.gather [hbm4b:s5+s6], $0x40, s11, s6, $0xb8;
	[tilespmem:$0x10400] =	vst v63  }
0x12: {  	s13 =	simm.s32 $0x200;
	s14 =	simm.s32 $0x8400  }
0x13: {  	[tilespmem:s14], [sflag:$0x1] =	stream.indirect.gather [hbm4b:s5+s6], $0x40, s13, s6, $0xb8;
	[tilespmem:$0x10400] =	vst v63  }
0x14: {  	s15 =	simm.s32 $0x280;
	s16 =	simm.s32 $0xA400  }
0x15: {  	[tilespmem:s16], [sflag:$0x1] =	stream.indirect.gather [hbm4b:s5+s6], $0x40, s15, s6, $0xb8;
	[tilespmem:$0x10400] =	vst v63  }
0x16: {  	s17 =	simm.s32 $0x300;
	s18 =	simm.s32 $0xC400  }
0x17: {  	[tilespmem:s18], [sflag:$0x1] =	stream.indirect.gather [hbm4b:s5+s6], $0x40, s17, s6, $0xb8;
	[tilespmem:$0x10400] =	vst v63  }
0x18: {  	s19 =	simm.s32 $0x380;
	s20 =	simm.s32 $0xE400;
	s21 =	simm.s32 $0x1  }
0x19: {  	[tilespmem:s20], [sflag:$0x1] =	stream.indirect.gather [hbm4b:s5+s6], $0x40, s19, s6, $0xb8;
	[tilespmem:$0x10400] =	vst v63  }
0x1a: {  	_ =	swait.ge [sflag:s21], $0x2000  }
0x1b: {  	[sflag:s21] =	ssyncset.done $0x0  }
0x1c: {  	[sflag:s21] =	ssyncadd.s32 $0xFFFFE000  }
0x1d: {  	_ =	swait.ge [sflag:s21], $0x2000  }
0x1e: {  	[sflag:s21] =	ssyncset.done $0x0  }
0x1f: {  	[sflag:s21] =	ssyncadd.s32 $0xFFFFE000  }
0x20: {  	_ =	swait.ge [sflag:s21], $0x2000  }
0x21: {  	[sflag:s21] =	ssyncset.done $0x0  }
0x22: {  	[sflag:s21] =	ssyncadd.s32 $0xFFFFE000  }
0x23: {  	_ =	swait.ge [sflag:s21], $0x2000  }
0x24: {  	[sflag:s21] =	ssyncset.done $0x0  }
0x25: {  	[sflag:s21] =	ssyncadd.s32 $0xFFFFE000  }
0x26: {  	_ =	swait.ge [sflag:s21], $0x2000  }
0x27: {  	[sflag:s21] =	ssyncset.done $0x0  }
0x28: {  	[sflag:s21] =	ssyncadd.s32 $0xFFFFE000  }
0x29: {  	_ =	swait.ge [sflag:s21], $0x2000  }
0x2a: {  	[sflag:s21] =	ssyncset.done $0x0  }
0x2b: {  	s24 =	ssub.s32 $0x2, s24;
	[sflag:s21] =	ssyncadd.s32 $0xFFFFE000  }
0x2c: {  	s25 =	sshrl.u32 s24, $0x1;
	_ =	swait.ge [sflag:s21], $0x2000  }
0x2d: {  	s24 =	ssub.s32 s24, s25;
	[sflag:s21] =	ssyncset.done $0x0  }
0x2e: {  	s31 =	smax.u32 s24, $0x1;
	[sflag:s21] =	ssyncadd.s32 $0xFFFFE000  }
0x2f: {  	p0 =	sne.s32 s31, $0x1;
	_ =	swait.ge [sflag:s21], $0x2000  }
.Ltmp0:
0x30: {  	s23 =	sshll.u32 s23, $0xD;
	[sflag:s21] =	ssyncset.done $0x0;
	(pc) =	sbr.rel @!p0 .LBB2_2-.Ltmp0, $4  }
0x31: {  	s22 =	sadd.s32 s22, s23;
	[sflag:s21] =	ssyncadd.s32 $0xFFFFE000  }
0x32: {  	[hbm4b:s22+s2] =	stream.linear.scatter [tilespmem:s7], [sflag:$0x2], $0x10000, $0x38;
	[tilespmem:$0x10400] =	vst v63  }
0x33: {  	_ =	swait.ge [sflag:s3], $0x10000  }
0x34: {  	s23 =	sadd.s32 $0xFFFFFFFF, s31;
	[sflag:s3] =	ssyncset.done $0x0  }
.LBB2_1:
0x35: {  	p0 =	sne.s32 s23, $0x1;
	s23 =	sadd.s32 $0xFFFFFFFF, s23;
	[sflag:s3] =	ssyncadd.s32 $0xFFFF0000  }
0x36: {  	[tilespmem:s2], [sflag:$0x2] =	stream.linear.gather [hbm4b:s4+s2], $0x400, $0x38;
	[tilespmem:$0x10400] =	vst v63  }
0x37: {  	_ =	swait.ge [sflag:s3], $0x400  }
0x38: {  	[sflag:s3] =	ssyncset.done $0x0  }
0x39: {  	[sflag:s3] =	ssyncadd.s32 $0xFFFFFC00  }
0x3a: {  	[tilespmem:s7], [sflag:$0x1] =	stream.indirect.gather [hbm4b:s5+s6], $0x40, s2, s6, $0xb8;
	[tilespmem:$0x10400] =	vst v63  }
0x3b: {  	_ = 	snop  }
0x3c: {  	[tilespmem:s8], [sflag:$0x1] =	stream.indirect.gather [hbm4b:s5+s6], $0x40, s6, s6, $0xb8;
	[tilespmem:$0x10400] =	vst v63  }
0x3d: {  	_ = 	snop  }
0x3e: {  	[tilespmem:s10], [sflag:$0x1] =	stream.indirect.gather [hbm4b:s5+s6], $0x40, s9, s6, $0xb8;
	[tilespmem:$0x10400] =	vst v63  }
0x3f: {  	_ = 	snop  }
0x40: {  	[tilespmem:s12], [sflag:$0x1] =	stream.indirect.gather [hbm4b:s5+s6], $0x40, s11, s6, $0xb8;
	[tilespmem:$0x10400] =	vst v63  }
0x41: {  	_ = 	snop  }
0x42: {  	[tilespmem:s14], [sflag:$0x1] =	stream.indirect.gather [hbm4b:s5+s6], $0x40, s13, s6, $0xb8;
	[tilespmem:$0x10400] =	vst v63  }
0x43: {  	_ = 	snop  }
0x44: {  	[tilespmem:s16], [sflag:$0x1] =	stream.indirect.gather [hbm4b:s5+s6], $0x40, s15, s6, $0xb8;
	[tilespmem:$0x10400] =	vst v63  }
0x45: {  	_ = 	snop  }
0x46: {  	[tilespmem:s18], [sflag:$0x1] =	stream.indirect.gather [hbm4b:s5+s6], $0x40, s17, s6, $0xb8;
	[tilespmem:$0x10400] =	vst v63  }
0x47: {  	_ = 	snop  }
0x48: {  	[tilespmem:s20], [sflag:$0x1] =	stream.indirect.gather [hbm4b:s5+s6], $0x40, s19, s6, $0xb8;
	[tilespmem:$0x10400] =	vst v63  }
0x49: {  	_ =	swait.ge [sflag:s21], $0x2000  }
0x4a: {  	[sflag:s21] =	ssyncset.done $0x0  }
0x4b: {  	[sflag:s21] =	ssyncadd.s32 $0xFFFFE000  }
0x4c: {  	_ =	swait.ge [sflag:s21], $0x2000  }
0x4d: {  	[sflag:s21] =	ssyncset.done $0x0  }
0x4e: {  	[sflag:s21] =	ssyncadd.s32 $0xFFFFE000  }
0x4f: {  	_ =	swait.ge [sflag:s21], $0x2000  }
0x50: {  	[sflag:s21] =	ssyncset.done $0x0  }
0x51: {  	[sflag:s21] =	ssyncadd.s32 $0xFFFFE000  }
0x52: {  	_ =	swait.ge [sflag:s21], $0x2000  }
0x53: {  	[sflag:s21] =	ssyncset.done $0x0  }
0x54: {  	[sflag:s21] =	ssyncadd.s32 $0xFFFFE000  }
0x55: {  	_ =	swait.ge [sflag:s21], $0x2000  }
0x56: {  	[sflag:s21] =	ssyncset.done $0x0  }
0x57: {  	[sflag:s21] =	ssyncadd.s32 $0xFFFFE000  }
0x58: {  	_ =	swait.ge [sflag:s21], $0x2000  }
0x59: {  	[sflag:s21] =	ssyncset.done $0x0  }
0x5a: {  	[sflag:s21] =	ssyncadd.s32 $0xFFFFE000  }
0x5b: {  	_ =	swait.ge [sflag:s21], $0x2000  }
0x5c: {  	[sflag:s21] =	ssyncset.done $0x0  }
0x5d: {  	[sflag:s21] =	ssyncadd.s32 $0xFFFFE000  }
0x5e: {  	_ =	swait.ge [sflag:s21], $0x2000  }
.Ltmp1:
0x5f: {  	[sflag:s21] =	ssyncset.done $0x0;
	(pc) =	sbr.rel @p0 .LBB2_1-.Ltmp1, $4  }
0x60: {  	[sflag:s21] =	ssyncadd.s32 $0xFFFFE000  }
0x61: {  	[hbm4b:s22+s2] =	stream.linear.scatter [tilespmem:s7], [sflag:$0x2], $0x10000, $0x38;
	[tilespmem:$0x10400] =	vst v63  }
0x62: {  	_ =	swait.ge [sflag:s3], $0x10000  }
0x63: {  	[sflag:s3] =	ssyncset.done $0x0  }
.LBB2_2:
0x64: {  	[sflag:s3] =	ssyncadd.s32 $0xFFFF0000  }
0x65: {  	_ =	sfence.sel $0x180000  }
0x66: {  	[bflag:$0x0] =	sbarrier.arrive $0xFFFF  }
0x67: {  	p0 =	sne.s32 s0, $0x0;
	_ =	strace $0x90000047  }
0x68: {  	s0 =	sadd.s32 @!p0 $0x100000, s1;
	[bflag:$0x2] =	sbarrier.arrive $0xFFFF  }
0x69: {  	[sflag:s0] =	ssyncadd.tile.s32 @!p0 $0x1;
	_ =	shalt  }
.Lfunc_end2:
_tile_overlayer_lowered:
.L_overlay_start_2:
0x6a: {  	(tag) =	ssettag $0x2  }
0x6b: {  	s0 =	rddreg [dreg:$0x0];
	s2 =	stileid.u32  }
0x6c: {  	s1 =	rddreg [dreg:$0x1];
	p0 =	sne.s32 s2, $0x0  }
0x6d: {  	s3 =	rddreg [dreg:$0x2];
	[bflag:$0x3] =	sbarrier.arrive $0xFFFF;
	s2 =	simm.s32 @!p0 $0x1C02  }
0x6e: {  	[timem:s3], [sflag:s2] =	dma.local @!p0 [hbm:s0], s1  }
0x6f: {  	s0 =	simm.s32 @!p0 $0x2  }
0x70: {  	_ =	swait.ge @!p0 [sflag:s0], s1  }
0x71: {  	s1 =	ssub.s32 @!p0 $0x0, s1;
	[sflag:s0] =	ssyncset.done @!p0 $0x0  }
0x72: {  	[sflag:s0] =	ssyncadd.s32 @!p0 s1  }
0x73: {  	[bflag:$0x3] =	sbarrier.arrive $0xFFFF  }
0x74: {  	_ =	shalt  }

</sc_bundles>
